<compile_context>
chip_gen: v7x
topology: tpu7x:2x2x1
jax: 0.10.2.dev20260603
libtpu: 0.0.44.dev20260713+nightly
codegen_flags: <defaults>
</compile_context>

<pallas_src>
import functools
import jax, jax.numpy as jnp, numpy as np
from jax import lax
from jax.experimental import pallas as pl
from jax.experimental.pallas import tpu as pltpu
from jax.experimental.pallas import tpu_sc as plsc

N, D, B = 320000, 128, 2500
NW = 32
Bp = 2560
SPW = Bp // NW

mesh = plsc.VectorSubcoreMesh(core_axis_name="c", subcore_axis_name="s")


@functools.partial(
    pl.kernel, mesh=mesh,
    out_type=jax.ShapeDtypeStruct((Bp, D), jnp.float32),
    scratch_types=[
        pltpu.VMEM((SPW + 16,), jnp.int32),
        pltpu.VMEM((SPW + 16,), jnp.int32),
        pltpu.VMEM((1, D), jnp.float32),
        pltpu.VMEM((SPW, D), jnp.float32),
        pltpu.SemaphoreType.DMA,
    ],
)
def sc_agg(x_hbm, starts_hbm, ends_hbm, out_hbm, st_v, en_v, row_v, acc_v,
           sem):
    wid = lax.axis_index("s") * 2 + lax.axis_index("c")
    base = wid * SPW
    pltpu.sync_copy(starts_hbm.at[pl.ds(base, SPW)], st_v.at[pl.ds(0, SPW)])
    pltpu.sync_copy(ends_hbm.at[pl.ds(base, SPW)], en_v.at[pl.ds(0, SPW)])

    zero = jnp.zeros((16,), jnp.float32)

    def seg_body(j, carry):
        r0 = st_v[pl.ds(j, 16)][0]
        r1 = en_v[pl.ds(j, 16)][0]
        for k in range(D // 16):
            acc_v[j, pl.ds(k * 16, 16)] = zero

        def row_body(r, c):
            cp = pltpu.make_async_copy(x_hbm.at[pl.ds(r, 1), :], row_v, sem)
            cp.start()
            cp.wait()
            for k in range(D // 16):
                acc_v[j, pl.ds(k * 16, 16)] = (
                    acc_v[j, pl.ds(k * 16, 16)] + row_v[0, pl.ds(k * 16, 16)])
            return c

        lax.fori_loop(r0, r1, row_body, 0)
        return carry

    lax.fori_loop(0, SPW, seg_body, 0)
    pltpu.sync_copy(acc_v, out_hbm.at[pl.ds(base, SPW)])


def _mlp_kern(x_ref, wi_ref, bi_ref, wo_ref, bo_ref, out_ref):
    agg = x_ref[...]
    h = lax.dot_general(agg, wi_ref[...], (((1,), (1,)), ((), ())),
                        preferred_element_type=jnp.float32) + bi_ref[...]
    u = jnp.exp(h)
    v = u * (u + 2.0)
    h = jnp.where(h > 20.0, h, h * (v / (v + 2.0)))
    out_ref[...] = lax.dot_general(
        h, wo_ref[...], (((1,), (1,)), ((), ())),
        preferred_element_type=jnp.float32) + bo_ref[...]


@jax.jit
def hybrid(node_embeddings, node_sizes, W_inner, b_inner, W_outer, b_outer):
    sizes = node_sizes.astype(jnp.int32)
    ends = jnp.cumsum(sizes)
    starts = ends - sizes
    pad = jnp.full((Bp - B,), ends[-1], jnp.int32)
    ends_p = jnp.concatenate([ends, pad])
    starts_p = jnp.concatenate([starts, pad])
    agg = sc_agg(node_embeddings, starts_p, ends_p)
    out = pl.pallas_call(
        _mlp_kern,
        out_shape=jax.ShapeDtypeStruct((B, W_outer.shape[0]), jnp.float32),
        in_specs=[pl.BlockSpec(memory_space=pltpu.VMEM)] * 5,
        out_specs=pl.BlockSpec(memory_space=pltpu.VMEM),
    )(agg[:B], W_inner, b_inner.reshape(1, -1), W_outer,
      b_outer.reshape(1, -1))
    return out




def kernel(node_embeddings, node_sizes, W_inner, b_inner, W_outer, b_outer):
    return hybrid(node_embeddings, node_sizes, W_inner, b_inner, W_outer,
                  b_outer)

# --- scband reference (transcript-rebuilt; emitter-appended) ---
"""Pipeline reference for scband-sum-readout-10170482557013 (READ-ONLY COPY).

The authoritative reference and input builder live on the scoring server;
editing this copy changes nothing except your own understanding.
"""

import jax, jax.numpy as jnp
import numpy as np

def _mish(x):
    return x * jnp.tanh(jax.nn.softplus(x))

def setup_inputs(seed: int = 0) -> dict:
    key = jax.random.key(seed)
    k1, k2, k3, k4, k5 = jax.random.split(key, 5)
    N, d_in, d_out, B = 320000, 128, 128, 2500
    node_embeddings = jax.random.normal(k1, (N, d_in), dtype=jnp.float32)
    # node_sizes must satisfy cumsum(node_sizes) - 1 < N and first index >= 0;
    # fill=ones gives B unit-size segments (sum = B <= N), always valid.
    node_sizes = jnp.ones((B,), dtype=jnp.int32)
    W_inner = jax.random.normal(k2, (d_in, d_in), dtype=jnp.float32) * 0.02
    b_inner = jax.random.normal(k3, (d_in,), dtype=jnp.float32) * 0.02
    W_outer = jax.random.normal(k4, (d_out, d_in), dtype=jnp.float32) * 0.02
    b_outer = jax.random.normal(k5, (d_out,), dtype=jnp.float32) * 0.02
    return {"node_embeddings": node_embeddings, "node_sizes": node_sizes,
            "W_inner": W_inner, "b_inner": b_inner,
            "W_outer": W_outer, "b_outer": b_outer}

def reference(node_embeddings, node_sizes, W_inner, b_inner, W_outer, b_outer):
    # SumReadout.forward
    cumsum_indices = jnp.cumsum(node_sizes) - 1
    cumsum_states = jnp.take(jnp.cumsum(node_embeddings, axis=0), cumsum_indices, axis=0)
    aggregated = jnp.concatenate(
        (cumsum_states[0].reshape(1, -1), cumsum_states[1:] - cumsum_states[:-1]), axis=0)
    # MLP: outer(mish(inner(x)))  (nn.Linear => x @ W.T + b)
    h = _mish(aggregated @ W_inner.T + b_inner)
    return h @ W_outer.T + b_outer

if __name__ == "__main__":
    import jax
    _d = setup_inputs()
    print(jax.jit(kernel)(*tuple(_d.values())))

</pallas_src>

<mosaic_0001>
#map = affine_map<(d0, d1) -> (0, 0)>
#map1 = affine_map<(d0, d1) -> (0)>
module attributes {stable_mosaic.version = 14 : i64} {
  func.func @sc_agg(%arg0: i32, %arg1: i32, %arg2: memref<320000x128xf32, #tpu.memory_space<hbm>>, %arg3: memref<2560xi32, #tpu.memory_space<hbm>>, %arg4: memref<2560xi32, #tpu.memory_space<hbm>>, %arg5: memref<2560x128xf32, #tpu.memory_space<hbm>>, %arg6: memref<96xi32, #tpu.memory_space<vmem>>, %arg7: memref<96xi32, #tpu.memory_space<vmem>>, %arg8: memref<1x128xf32, #tpu.memory_space<vmem>>, %arg9: memref<80x128xf32, #tpu.memory_space<vmem>>, %arg10: memref<!tpu.dma_semaphore, #tpu.memory_space<semaphore_mem>>) attributes {dimension_semantics = [#tpu.dimension_semantics<core_parallel>, #tpu.dimension_semantics<subcore_parallel>], iteration_bounds = array<i64: 2, 16>, scalar_prefetch = 0 : i64, scratch_operands = 5 : i64, tpu.core_type = #tpu.core_type<sc_vector_subcore>, window_params = [{transform_indices = #map}, {transform_indices = #map1}, {transform_indices = #map1}, {transform_indices = #map}]} {
    %mul3A = arith.constant 2 : i32
    %mul3A_0 = arith.muli %arg1, %mul3A : i32
    %add3A = arith.addi %mul3A_0, %arg0 : i32
    %mul3A_1 = arith.constant 80 : i32
    %mul3A_2 = arith.muli %add3A, %mul3A_1 : i32
    "tpu.region"() ({
      %run_scoped3A = tpu.sem_alloc : memref<!tpu.dma_semaphore, #tpu.memory_space<semaphore_mem>>
      %dma_start3A = arith.constant 0 : i32
      %dma_start3A_9 = tpu.memref_slice %arg6[%dma_start3A] : memref<96xi32, #tpu.memory_space<vmem>> -> memref<80xi32, #tpu.memory_space<vmem>>
      %dma_start3A_10 = tpu.memref_slice %arg3[%mul3A_2] : memref<2560xi32, #tpu.memory_space<hbm>> -> memref<80xi32, #tpu.memory_space<hbm>>
      %dma_start3A_11 = arith.constant 0 : i32
      %dma_start3A_12 = tpu.memref_slice %arg6[%dma_start3A_11] : memref<96xi32, #tpu.memory_space<vmem>> -> memref<80xi32, #tpu.memory_space<vmem>>
      %dma_start3A_13 = tpu.memref_slice %arg3[%mul3A_2] : memref<2560xi32, #tpu.memory_space<hbm>> -> memref<80xi32, #tpu.memory_space<hbm>>
      tpu.enqueue_dma source(%dma_start3A_13 : memref<80xi32, #tpu.memory_space<hbm>>) target(%dma_start3A_12 : memref<80xi32, #tpu.memory_space<vmem>>) target_semaphore(%run_scoped3A : memref<!tpu.dma_semaphore, #tpu.memory_space<semaphore_mem>>)
      %dma_wait3A = arith.constant 0 : i32
      %dma_wait3A_14 = tpu.memref_slice %arg6[%dma_wait3A] : memref<96xi32, #tpu.memory_space<vmem>> -> memref<80xi32, #tpu.memory_space<vmem>>
      %dma_wait3A_15 = tpu.memref_slice %arg3[%mul3A_2] : memref<2560xi32, #tpu.memory_space<hbm>> -> memref<80xi32, #tpu.memory_space<hbm>>
      %dma_wait3A_16 = arith.constant 0 : i32
      %dma_wait3A_17 = tpu.memref_slice %arg6[%dma_wait3A_16] : memref<96xi32, #tpu.memory_space<vmem>> -> memref<80xi32, #tpu.memory_space<vmem>>
      %dma_wait3A_18 = tpu.memref_slice %arg3[%mul3A_2] : memref<2560xi32, #tpu.memory_space<hbm>> -> memref<80xi32, #tpu.memory_space<hbm>>
      tpu.wait_dma2 semaphore(%run_scoped3A : memref<!tpu.dma_semaphore, #tpu.memory_space<semaphore_mem>>) src(%dma_wait3A_18 : memref<80xi32, #tpu.memory_space<hbm>>) dst(%dma_wait3A_17 : memref<80xi32, #tpu.memory_space<vmem>>)
      tpu.yield
    }) : () -> ()
    "tpu.region"() ({
      %run_scoped3A = tpu.sem_alloc : memref<!tpu.dma_semaphore, #tpu.memory_space<semaphore_mem>>
      %dma_start3A = arith.constant 0 : i32
      %dma_start3A_9 = tpu.memref_slice %arg7[%dma_start3A] : memref<96xi32, #tpu.memory_space<vmem>> -> memref<80xi32, #tpu.memory_space<vmem>>
      %dma_start3A_10 = tpu.memref_slice %arg4[%mul3A_2] : memref<2560xi32, #tpu.memory_space<hbm>> -> memref<80xi32, #tpu.memory_space<hbm>>
      %dma_start3A_11 = arith.constant 0 : i32
      %dma_start3A_12 = tpu.memref_slice %arg7[%dma_start3A_11] : memref<96xi32, #tpu.memory_space<vmem>> -> memref<80xi32, #tpu.memory_space<vmem>>
      %dma_start3A_13 = tpu.memref_slice %arg4[%mul3A_2] : memref<2560xi32, #tpu.memory_space<hbm>> -> memref<80xi32, #tpu.memory_space<hbm>>
      tpu.enqueue_dma source(%dma_start3A_13 : memref<80xi32, #tpu.memory_space<hbm>>) target(%dma_start3A_12 : memref<80xi32, #tpu.memory_space<vmem>>) target_semaphore(%run_scoped3A : memref<!tpu.dma_semaphore, #tpu.memory_space<semaphore_mem>>)
      %dma_wait3A = arith.constant 0 : i32
      %dma_wait3A_14 = tpu.memref_slice %arg7[%dma_wait3A] : memref<96xi32, #tpu.memory_space<vmem>> -> memref<80xi32, #tpu.memory_space<vmem>>
      %dma_wait3A_15 = tpu.memref_slice %arg4[%mul3A_2] : memref<2560xi32, #tpu.memory_space<hbm>> -> memref<80xi32, #tpu.memory_space<hbm>>
      %dma_wait3A_16 = arith.constant 0 : i32
      %dma_wait3A_17 = tpu.memref_slice %arg7[%dma_wait3A_16] : memref<96xi32, #tpu.memory_space<vmem>> -> memref<80xi32, #tpu.memory_space<vmem>>
      %dma_wait3A_18 = tpu.memref_slice %arg4[%mul3A_2] : memref<2560xi32, #tpu.memory_space<hbm>> -> memref<80xi32, #tpu.memory_space<hbm>>
      tpu.wait_dma2 semaphore(%run_scoped3A : memref<!tpu.dma_semaphore, #tpu.memory_space<semaphore_mem>>) src(%dma_wait3A_18 : memref<80xi32, #tpu.memory_space<hbm>>) dst(%dma_wait3A_17 : memref<80xi32, #tpu.memory_space<vmem>>)
      tpu.yield
    }) : () -> ()
    %broadcast_in_dim3A = arith.constant 0.000000e+00 : f32
    %broadcast_in_dim3A_3 = vector.broadcast %broadcast_in_dim3A : f32 to vector<16xf32>
    %scan3A = arith.constant 0 : i32
    %scan3A_4 = arith.constant 0 : i32
    %scan3A_5 = arith.constant 80 : i32
    %scan3A_6 = arith.addi %scan3A_4, %scan3A_5 : i32
    %scan3A_7 = arith.constant 1 : i32
    scf.for %scan3A_9 = %scan3A_4 to %scan3A_6 step %scan3A_7  : i32 {
      %get3A = arith.index_cast %scan3A_9 : i32 to index
      %get3A_10 = tpu.vector_load %arg6[%get3A] {strides = array<i32>} : memref<96xi32, #tpu.memory_space<vmem>>, vector<16xi32>,
      %get3A_11 = vector.shape_cast %get3A_10 : vector<16xi32> to vector<16xi32>
      %slice3A = vector.extract_strided_slice %get3A_11 {offsets = [0], sizes = [1], strides = [1]} : vector<16xi32> to vector<1xi32>
      %squeeze3A = vector.extract %slice3A[0] : i32 from vector<1xi32>
      %get3A_12 = arith.index_cast %scan3A_9 : i32 to index
      %get3A_13 = tpu.vector_load %arg7[%get3A_12] {strides = array<i32>} : memref<96xi32, #tpu.memory_space<vmem>>, vector<16xi32>,
      %get3A_14 = vector.shape_cast %get3A_13 : vector<16xi32> to vector<16xi32>
      %slice3A_15 = vector.extract_strided_slice %get3A_14 {offsets = [0], sizes = [1], strides = [1]} : vector<16xi32> to vector<1xi32>
      %squeeze3A_16 = vector.extract %slice3A_15[0] : i32 from vector<1xi32>
      %swap3A = arith.index_cast %scan3A_9 : i32 to index
      %swap3A_17 = arith.constant 0 : index
      %swap3A_18 = tpu.vector_load %arg9[%swap3A, %swap3A_17] {strides = array<i32>} : memref<80x128xf32, #tpu.memory_space<vmem>>, vector<1x16xf32>,
      %swap3A_19 = vector.shape_cast %swap3A_18 : vector<1x16xf32> to vector<16xf32>
      %swap3A_20 = vector.shape_cast %broadcast_in_dim3A_3 : vector<16xf32> to vector<1x16xf32>
      tpu.vector_store %arg9[%swap3A, %swap3A_17], %swap3A_20 {strides = array<i32>} : memref<80x128xf32, #tpu.memory_space<vmem>>, vector<1x16xf32>,
      %swap3A_21 = arith.index_cast %scan3A_9 : i32 to index
      %swap3A_22 = arith.constant 16 : index
      %swap3A_23 = tpu.vector_load %arg9[%swap3A_21, %swap3A_22] {strides = array<i32>} : memref<80x128xf32, #tpu.memory_space<vmem>>, vector<1x16xf32>,
      %swap3A_24 = vector.shape_cast %swap3A_23 : vector<1x16xf32> to vector<16xf32>
      %swap3A_25 = vector.shape_cast %broadcast_in_dim3A_3 : vector<16xf32> to vector<1x16xf32>
      tpu.vector_store %arg9[%swap3A_21, %swap3A_22], %swap3A_25 {strides = array<i32>} : memref<80x128xf32, #tpu.memory_space<vmem>>, vector<1x16xf32>,
      %swap3A_26 = arith.index_cast %scan3A_9 : i32 to index
      %swap3A_27 = arith.constant 32 : index
      %swap3A_28 = tpu.vector_load %arg9[%swap3A_26, %swap3A_27] {strides = array<i32>} : memref<80x128xf32, #tpu.memory_space<vmem>>, vector<1x16xf32>,
      %swap3A_29 = vector.shape_cast %swap3A_28 : vector<1x16xf32> to vector<16xf32>
      %swap3A_30 = vector.shape_cast %broadcast_in_dim3A_3 : vector<16xf32> to vector<1x16xf32>
      tpu.vector_store %arg9[%swap3A_26, %swap3A_27], %swap3A_30 {strides = array<i32>} : memref<80x128xf32, #tpu.memory_space<vmem>>, vector<1x16xf32>,
      %swap3A_31 = arith.index_cast %scan3A_9 : i32 to index
      %swap3A_32 = arith.constant 48 : index
      %swap3A_33 = tpu.vector_load %arg9[%swap3A_31, %swap3A_32] {strides = array<i32>} : memref<80x128xf32, #tpu.memory_space<vmem>>, vector<1x16xf32>,
      %swap3A_34 = vector.shape_cast %swap3A_33 : vector<1x16xf32> to vector<16xf32>
      %swap3A_35 = vector.shape_cast %broadcast_in_dim3A_3 : vector<16xf32> to vector<1x16xf32>
      tpu.vector_store %arg9[%swap3A_31, %swap3A_32], %swap3A_35 {strides = array<i32>} : memref<80x128xf32, #tpu.memory_space<vmem>>, vector<1x16xf32>,
      %swap3A_36 = arith.index_cast %scan3A_9 : i32 to index
      %swap3A_37 = arith.constant 64 : index
      %swap3A_38 = tpu.vector_load %arg9[%swap3A_36, %swap3A_37] {strides = array<i32>} : memref<80x128xf32, #tpu.memory_space<vmem>>, vector<1x16xf32>,
      %swap3A_39 = vector.shape_cast %swap3A_38 : vector<1x16xf32> to vector<16xf32>
      %swap3A_40 = vector.shape_cast %broadcast_in_dim3A_3 : vector<16xf32> to vector<1x16xf32>
      tpu.vector_store %arg9[%swap3A_36, %swap3A_37], %swap3A_40 {strides = array<i32>} : memref<80x128xf32, #tpu.memory_space<vmem>>, vector<1x16xf32>,
      %swap3A_41 = arith.index_cast %scan3A_9 : i32 to index
      %swap3A_42 = arith.constant 80 : index
      %swap3A_43 = tpu.vector_load %arg9[%swap3A_41, %swap3A_42] {strides = array<i32>} : memref<80x128xf32, #tpu.memory_space<vmem>>, vector<1x16xf32>,
      %swap3A_44 = vector.shape_cast %swap3A_43 : vector<1x16xf32> to vector<16xf32>
      %swap3A_45 = vector.shape_cast %broadcast_in_dim3A_3 : vector<16xf32> to vector<1x16xf32>
      tpu.vector_store %arg9[%swap3A_41, %swap3A_42], %swap3A_45 {strides = array<i32>} : memref<80x128xf32, #tpu.memory_space<vmem>>, vector<1x16xf32>,
      %swap3A_46 = arith.index_cast %scan3A_9 : i32 to index
      %swap3A_47 = arith.constant 96 : index
      %swap3A_48 = tpu.vector_load %arg9[%swap3A_46, %swap3A_47] {strides = array<i32>} : memref<80x128xf32, #tpu.memory_space<vmem>>, vector<1x16xf32>,
      %swap3A_49 = vector.shape_cast %swap3A_48 : vector<1x16xf32> to vector<16xf32>
      %swap3A_50 = vector.shape_cast %broadcast_in_dim3A_3 : vector<16xf32> to vector<1x16xf32>
      tpu.vector_store %arg9[%swap3A_46, %swap3A_47], %swap3A_50 {strides = array<i32>} : memref<80x128xf32, #tpu.memory_space<vmem>>, vector<1x16xf32>,
      %swap3A_51 = arith.index_cast %scan3A_9 : i32 to index
      %swap3A_52 = arith.constant 112 : index
      %swap3A_53 = tpu.vector_load %arg9[%swap3A_51, %swap3A_52] {strides = array<i32>} : memref<80x128xf32, #tpu.memory_space<vmem>>, vector<1x16xf32>,
      %swap3A_54 = vector.shape_cast %swap3A_53 : vector<1x16xf32> to vector<16xf32>
      %swap3A_55 = vector.shape_cast %broadcast_in_dim3A_3 : vector<16xf32> to vector<1x16xf32>
      tpu.vector_store %arg9[%swap3A_51, %swap3A_52], %swap3A_55 {strides = array<i32>} : memref<80x128xf32, #tpu.memory_space<vmem>>, vector<1x16xf32>,
      %while3A = arith.constant 0 : i32
      %while3A_56 = arith.subi %squeeze3A_16, %squeeze3A : i32
      %while3A_57 = arith.addi %squeeze3A, %while3A_56 : i32
      %while3A_58 = arith.constant 1 : i32
      %while3A_59 = arith.divsi %while3A_56, %while3A_58 : i32
      %while3A_60 = arith.muli %while3A_59, %while3A_58 : i32
      %while3A_61 = arith.addi %squeeze3A, %while3A_60 : i32
      %while3A_62 = arith.constant 1 : i32
      scf.for %while3A_64 = %squeeze3A to %while3A_61 step %while3A_62  : i32 {
        %dma_start3A = arith.constant 0 : i32
        %dma_start3A_65 = tpu.memref_slice %arg2[%while3A_64, %dma_start3A] : memref<320000x128xf32, #tpu.memory_space<hbm>> -> memref<1x128xf32, #tpu.memory_space<hbm>>
        %dma_start3A_66 = arith.constant 0 : i32
        %dma_start3A_67 = tpu.memref_slice %arg2[%while3A_64, %dma_start3A_66] : memref<320000x128xf32, #tpu.memory_space<hbm>> -> memref<1x128xf32, #tpu.memory_space<hbm>>
        tpu.enqueue_dma source(%dma_start3A_67 : memref<1x128xf32, #tpu.memory_space<hbm>>) target(%arg8 : memref<1x128xf32, #tpu.memory_space<vmem>>) target_semaphore(%arg10 : memref<!tpu.dma_semaphore, #tpu.memory_space<semaphore_mem>>)
        %dma_wait3A = arith.constant 0 : i32
        %dma_wait3A_68 = tpu.memref_slice %arg2[%while3A_64, %dma_wait3A] : memref<320000x128xf32, #tpu.memory_space<hbm>> -> memref<1x128xf32, #tpu.memory_space<hbm>>
        %dma_wait3A_69 = arith.constant 0 : i32
        %dma_wait3A_70 = tpu.memref_slice %arg2[%while3A_64, %dma_wait3A_69] : memref<320000x128xf32, #tpu.memory_space<hbm>> -> memref<1x128xf32, #tpu.memory_space<hbm>>
        tpu.wait_dma2 semaphore(%arg10 : memref<!tpu.dma_semaphore, #tpu.memory_space<semaphore_mem>>) src(%dma_wait3A_70 : memref<1x128xf32, #tpu.memory_space<hbm>>) dst(%arg8 : memref<1x128xf32, #tpu.memory_space<vmem>>)
        %get3A_71 = arith.index_cast %scan3A_9 : i32 to index
        %get3A_72 = arith.constant 0 : index
        %get3A_73 = tpu.vector_load %arg9[%get3A_71, %get3A_72] {strides = array<i32>} : memref<80x128xf32, #tpu.memory_space<vmem>>, vector<1x16xf32>,
        %get3A_74 = vector.shape_cast %get3A_73 : vector<1x16xf32> to vector<16xf32>
        %get3A_75 = arith.constant 0 : i32
        %get3A_76 = arith.index_cast %get3A_75 : i32 to index
        %get3A_77 = arith.constant 0 : index
        %get3A_78 = tpu.vector_load %arg8[%get3A_76, %get3A_77] {strides = array<i32>} : memref<1x128xf32, #tpu.memory_space<vmem>>, vector<1x16xf32>,
        %get3A_79 = vector.shape_cast %get3A_78 : vector<1x16xf32> to vector<16xf32>
        %add3A_80 = arith.addf %get3A_74, %get3A_79 : vector<16xf32>
        %swap3A_81 = arith.index_cast %scan3A_9 : i32 to index
        %swap3A_82 = arith.constant 0 : index
        %swap3A_83 = tpu.vector_load %arg9[%swap3A_81, %swap3A_82] {strides = array<i32>} : memref<80x128xf32, #tpu.memory_space<vmem>>, vector<1x16xf32>,
        %swap3A_84 = vector.shape_cast %swap3A_83 : vector<1x16xf32> to vector<16xf32>
        %swap3A_85 = vector.shape_cast %add3A_80 : vector<16xf32> to vector<1x16xf32>
        tpu.vector_store %arg9[%swap3A_81, %swap3A_82], %swap3A_85 {strides = array<i32>} : memref<80x128xf32, #tpu.memory_space<vmem>>, vector<1x16xf32>,
        %get3A_86 = arith.index_cast %scan3A_9 : i32 to index
        %get3A_87 = arith.constant 16 : index
        %get3A_88 = tpu.vector_load %arg9[%get3A_86, %get3A_87] {strides = array<i32>} : memref<80x128xf32, #tpu.memory_space<vmem>>, vector<1x16xf32>,
        %get3A_89 = vector.shape_cast %get3A_88 : vector<1x16xf32> to vector<16xf32>
        %get3A_90 = arith.constant 0 : i32
        %get3A_91 = arith.index_cast %get3A_90 : i32 to index
        %get3A_92 = arith.constant 16 : index
        %get3A_93 = tpu.vector_load %arg8[%get3A_91, %get3A_92] {strides = array<i32>} : memref<1x128xf32, #tpu.memory_space<vmem>>, vector<1x16xf32>,
        %get3A_94 = vector.shape_cast %get3A_93 : vector<1x16xf32> to vector<16xf32>
        %add3A_95 = arith.addf %get3A_89, %get3A_94 : vector<16xf32>
        %swap3A_96 = arith.index_cast %scan3A_9 : i32 to index
        %swap3A_97 = arith.constant 16 : index
        %swap3A_98 = tpu.vector_load %arg9[%swap3A_96, %swap3A_97] {strides = array<i32>} : memref<80x128xf32, #tpu.memory_space<vmem>>, vector<1x16xf32>,
        %swap3A_99 = vector.shape_cast %swap3A_98 : vector<1x16xf32> to vector<16xf32>
        %swap3A_100 = vector.shape_cast %add3A_95 : vector<16xf32> to vector<1x16xf32>
        tpu.vector_store %arg9[%swap3A_96, %swap3A_97], %swap3A_100 {strides = array<i32>} : memref<80x128xf32, #tpu.memory_space<vmem>>, vector<1x16xf32>,
        %get3A_101 = arith.index_cast %scan3A_9 : i32 to index
        %get3A_102 = arith.constant 32 : index
        %get3A_103 = tpu.vector_load %arg9[%get3A_101, %get3A_102] {strides = array<i32>} : memref<80x128xf32, #tpu.memory_space<vmem>>, vector<1x16xf32>,
        %get3A_104 = vector.shape_cast %get3A_103 : vector<1x16xf32> to vector<16xf32>
        %get3A_105 = arith.constant 0 : i32
        %get3A_106 = arith.index_cast %get3A_105 : i32 to index
        %get3A_107 = arith.constant 32 : index
        %get3A_108 = tpu.vector_load %arg8[%get3A_106, %get3A_107] {strides = array<i32>} : memref<1x128xf32, #tpu.memory_space<vmem>>, vector<1x16xf32>,
        %get3A_109 = vector.shape_cast %get3A_108 : vector<1x16xf32> to vector<16xf32>
        %add3A_110 = arith.addf %get3A_104, %get3A_109 : vector<16xf32>
        %swap3A_111 = arith.index_cast %scan3A_9 : i32 to index
        %swap3A_112 = arith.constant 32 : index
        %swap3A_113 = tpu.vector_load %arg9[%swap3A_111, %swap3A_112] {strides = array<i32>} : memref<80x128xf32, #tpu.memory_space<vmem>>, vector<1x16xf32>,
        %swap3A_114 = vector.shape_cast %swap3A_113 : vector<1x16xf32> to vector<16xf32>
        %swap3A_115 = vector.shape_cast %add3A_110 : vector<16xf32> to vector<1x16xf32>
        tpu.vector_store %arg9[%swap3A_111, %swap3A_112], %swap3A_115 {strides = array<i32>} : memref<80x128xf32, #tpu.memory_space<vmem>>, vector<1x16xf32>,
        %get3A_116 = arith.index_cast %scan3A_9 : i32 to index
        %get3A_117 = arith.constant 48 : index
        %get3A_118 = tpu.vector_load %arg9[%get3A_116, %get3A_117] {strides = array<i32>} : memref<80x128xf32, #tpu.memory_space<vmem>>, vector<1x16xf32>,
        %get3A_119 = vector.shape_cast %get3A_118 : vector<1x16xf32> to vector<16xf32>
        %get3A_120 = arith.constant 0 : i32
        %get3A_121 = arith.index_cast %get3A_120 : i32 to index
        %get3A_122 = arith.constant 48 : index
        %get3A_123 = tpu.vector_load %arg8[%get3A_121, %get3A_122] {strides = array<i32>} : memref<1x128xf32, #tpu.memory_space<vmem>>, vector<1x16xf32>,
        %get3A_124 = vector.shape_cast %get3A_123 : vector<1x16xf32> to vector<16xf32>
        %add3A_125 = arith.addf %get3A_119, %get3A_124 : vector<16xf32>
        %swap3A_126 = arith.index_cast %scan3A_9 : i32 to index
        %swap3A_127 = arith.constant 48 : index
        %swap3A_128 = tpu.vector_load %arg9[%swap3A_126, %swap3A_127] {strides = array<i32>} : memref<80x128xf32, #tpu.memory_space<vmem>>, vector<1x16xf32>,
        %swap3A_129 = vector.shape_cast %swap3A_128 : vector<1x16xf32> to vector<16xf32>
        %swap3A_130 = vector.shape_cast %add3A_125 : vector<16xf32> to vector<1x16xf32>
        tpu.vector_store %arg9[%swap3A_126, %swap3A_127], %swap3A_130 {strides = array<i32>} : memref<80x128xf32, #tpu.memory_space<vmem>>, vector<1x16xf32>,
        %get3A_131 = arith.index_cast %scan3A_9 : i32 to index
        %get3A_132 = arith.constant 64 : index
        %get3A_133 = tpu.vector_load %arg9[%get3A_131, %get3A_132] {strides = array<i32>} : memref<80x128xf32, #tpu.memory_space<vmem>>, vector<1x16xf32>,
        %get3A_134 = vector.shape_cast %get3A_133 : vector<1x16xf32> to vector<16xf32>
        %get3A_135 = arith.constant 0 : i32
        %get3A_136 = arith.index_cast %get3A_135 : i32 to index
        %get3A_137 = arith.constant 64 : index
        %get3A_138 = tpu.vector_load %arg8[%get3A_136, %get3A_137] {strides = array<i32>} : memref<1x128xf32, #tpu.memory_space<vmem>>, vector<1x16xf32>,
        %get3A_139 = vector.shape_cast %get3A_138 : vector<1x16xf32> to vector<16xf32>
        %add3A_140 = arith.addf %get3A_134, %get3A_139 : vector<16xf32>
        %swap3A_141 = arith.index_cast %scan3A_9 : i32 to index
        %swap3A_142 = arith.constant 64 : index
        %swap3A_143 = tpu.vector_load %arg9[%swap3A_141, %swap3A_142] {strides = array<i32>} : memref<80x128xf32, #tpu.memory_space<vmem>>, vector<1x16xf32>,
        %swap3A_144 = vector.shape_cast %swap3A_143 : vector<1x16xf32> to vector<16xf32>
        %swap3A_145 = vector.shape_cast %add3A_140 : vector<16xf32> to vector<1x16xf32>
        tpu.vector_store %arg9[%swap3A_141, %swap3A_142], %swap3A_145 {strides = array<i32>} : memref<80x128xf32, #tpu.memory_space<vmem>>, vector<1x16xf32>,
        %get3A_146 = arith.index_cast %scan3A_9 : i32 to index
        %get3A_147 = arith.constant 80 : index
        %get3A_148 = tpu.vector_load %arg9[%get3A_146, %get3A_147] {strides = array<i32>} : memref<80x128xf32, #tpu.memory_space<vmem>>, vector<1x16xf32>,
        %get3A_149 = vector.shape_cast %get3A_148 : vector<1x16xf32> to vector<16xf32>
        %get3A_150 = arith.constant 0 : i32
        %get3A_151 = arith.index_cast %get3A_150 : i32 to index
        %get3A_152 = arith.constant 80 : index
        %get3A_153 = tpu.vector_load %arg8[%get3A_151, %get3A_152] {strides = array<i32>} : memref<1x128xf32, #tpu.memory_space<vmem>>, vector<1x16xf32>,
        %get3A_154 = vector.shape_cast %get3A_153 : vector<1x16xf32> to vector<16xf32>
        %add3A_155 = arith.addf %get3A_149, %get3A_154 : vector<16xf32>
        %swap3A_156 = arith.index_cast %scan3A_9 : i32 to index
        %swap3A_157 = arith.constant 80 : index
        %swap3A_158 = tpu.vector_load %arg9[%swap3A_156, %swap3A_157] {strides = array<i32>} : memref<80x128xf32, #tpu.memory_space<vmem>>, vector<1x16xf32>,
        %swap3A_159 = vector.shape_cast %swap3A_158 : vector<1x16xf32> to vector<16xf32>
        %swap3A_160 = vector.shape_cast %add3A_155 : vector<16xf32> to vector<1x16xf32>
        tpu.vector_store %arg9[%swap3A_156, %swap3A_157], %swap3A_160 {strides = array<i32>} : memref<80x128xf32, #tpu.memory_space<vmem>>, vector<1x16xf32>,
        %get3A_161 = arith.index_cast %scan3A_9 : i32 to index
        %get3A_162 = arith.constant 96 : index
        %get3A_163 = tpu.vector_load %arg9[%get3A_161, %get3A_162] {strides = array<i32>} : memref<80x128xf32, #tpu.memory_space<vmem>>, vector<1x16xf32>,
        %get3A_164 = vector.shape_cast %get3A_163 : vector<1x16xf32> to vector<16xf32>
        %get3A_165 = arith.constant 0 : i32
        %get3A_166 = arith.index_cast %get3A_165 : i32 to index
        %get3A_167 = arith.constant 96 : index
        %get3A_168 = tpu.vector_load %arg8[%get3A_166, %get3A_167] {strides = array<i32>} : memref<1x128xf32, #tpu.memory_space<vmem>>, vector<1x16xf32>,
        %get3A_169 = vector.shape_cast %get3A_168 : vector<1x16xf32> to vector<16xf32>
        %add3A_170 = arith.addf %get3A_164, %get3A_169 : vector<16xf32>
        %swap3A_171 = arith.index_cast %scan3A_9 : i32 to index
        %swap3A_172 = arith.constant 96 : index
        %swap3A_173 = tpu.vector_load %arg9[%swap3A_171, %swap3A_172] {strides = array<i32>} : memref<80x128xf32, #tpu.memory_space<vmem>>, vector<1x16xf32>,
        %swap3A_174 = vector.shape_cast %swap3A_173 : vector<1x16xf32> to vector<16xf32>
        %swap3A_175 = vector.shape_cast %add3A_170 : vector<16xf32> to vector<1x16xf32>
        tpu.vector_store %arg9[%swap3A_171, %swap3A_172], %swap3A_175 {strides = array<i32>} : memref<80x128xf32, #tpu.memory_space<vmem>>, vector<1x16xf32>,
        %get3A_176 = arith.index_cast %scan3A_9 : i32 to index
        %get3A_177 = arith.constant 112 : index
        %get3A_178 = tpu.vector_load %arg9[%get3A_176, %get3A_177] {strides = array<i32>} : memref<80x128xf32, #tpu.memory_space<vmem>>, vector<1x16xf32>,
        %get3A_179 = vector.shape_cast %get3A_178 : vector<1x16xf32> to vector<16xf32>
        %get3A_180 = arith.constant 0 : i32
        %get3A_181 = arith.index_cast %get3A_180 : i32 to index
        %get3A_182 = arith.constant 112 : index
        %get3A_183 = tpu.vector_load %arg8[%get3A_181, %get3A_182] {strides = array<i32>} : memref<1x128xf32, #tpu.memory_space<vmem>>, vector<1x16xf32>,
        %get3A_184 = vector.shape_cast %get3A_183 : vector<1x16xf32> to vector<16xf32>
        %add3A_185 = arith.addf %get3A_179, %get3A_184 : vector<16xf32>
        %swap3A_186 = arith.index_cast %scan3A_9 : i32 to index
        %swap3A_187 = arith.constant 112 : index
        %swap3A_188 = tpu.vector_load %arg9[%swap3A_186, %swap3A_187] {strides = array<i32>} : memref<80x128xf32, #tpu.memory_space<vmem>>, vector<1x16xf32>,
        %swap3A_189 = vector.shape_cast %swap3A_188 : vector<1x16xf32> to vector<16xf32>
        %swap3A_190 = vector.shape_cast %add3A_185 : vector<16xf32> to vector<1x16xf32>
        tpu.vector_store %arg9[%swap3A_186, %swap3A_187], %swap3A_190 {strides = array<i32>} : memref<80x128xf32, #tpu.memory_space<vmem>>, vector<1x16xf32>,
      }
      %while3A_63 = arith.constant 1 : i32
      scf.for %while3A_64 = %while3A_61 to %while3A_57 step %while3A_63  : i32 {
        %dma_start3A = arith.constant 0 : i32
        %dma_start3A_65 = tpu.memref_slice %arg2[%while3A_64, %dma_start3A] : memref<320000x128xf32, #tpu.memory_space<hbm>> -> memref<1x128xf32, #tpu.memory_space<hbm>>
        %dma_start3A_66 = arith.constant 0 : i32
        %dma_start3A_67 = tpu.memref_slice %arg2[%while3A_64, %dma_start3A_66] : memref<320000x128xf32, #tpu.memory_space<hbm>> -> memref<1x128xf32, #tpu.memory_space<hbm>>
        tpu.enqueue_dma source(%dma_start3A_67 : memref<1x128xf32, #tpu.memory_space<hbm>>) target(%arg8 : memref<1x128xf32, #tpu.memory_space<vmem>>) target_semaphore(%arg10 : memref<!tpu.dma_semaphore, #tpu.memory_space<semaphore_mem>>)
        %dma_wait3A = arith.constant 0 : i32
        %dma_wait3A_68 = tpu.memref_slice %arg2[%while3A_64, %dma_wait3A] : memref<320000x128xf32, #tpu.memory_space<hbm>> -> memref<1x128xf32, #tpu.memory_space<hbm>>
        %dma_wait3A_69 = arith.constant 0 : i32
        %dma_wait3A_70 = tpu.memref_slice %arg2[%while3A_64, %dma_wait3A_69] : memref<320000x128xf32, #tpu.memory_space<hbm>> -> memref<1x128xf32, #tpu.memory_space<hbm>>
        tpu.wait_dma2 semaphore(%arg10 : memref<!tpu.dma_semaphore, #tpu.memory_space<semaphore_mem>>) src(%dma_wait3A_70 : memref<1x128xf32, #tpu.memory_space<hbm>>) dst(%arg8 : memref<1x128xf32, #tpu.memory_space<vmem>>)
        %get3A_71 = arith.index_cast %scan3A_9 : i32 to index
        %get3A_72 = arith.constant 0 : index
        %get3A_73 = tpu.vector_load %arg9[%get3A_71, %get3A_72] {strides = array<i32>} : memref<80x128xf32, #tpu.memory_space<vmem>>, vector<1x16xf32>,
        %get3A_74 = vector.shape_cast %get3A_73 : vector<1x16xf32> to vector<16xf32>
        %get3A_75 = arith.constant 0 : i32
        %get3A_76 = arith.index_cast %get3A_75 : i32 to index
        %get3A_77 = arith.constant 0 : index
        %get3A_78 = tpu.vector_load %arg8[%get3A_76, %get3A_77] {strides = array<i32>} : memref<1x128xf32, #tpu.memory_space<vmem>>, vector<1x16xf32>,
        %get3A_79 = vector.shape_cast %get3A_78 : vector<1x16xf32> to vector<16xf32>
        %add3A_80 = arith.addf %get3A_74, %get3A_79 : vector<16xf32>
        %swap3A_81 = arith.index_cast %scan3A_9 : i32 to index
        %swap3A_82 = arith.constant 0 : index
        %swap3A_83 = tpu.vector_load %arg9[%swap3A_81, %swap3A_82] {strides = array<i32>} : memref<80x128xf32, #tpu.memory_space<vmem>>, vector<1x16xf32>,
        %swap3A_84 = vector.shape_cast %swap3A_83 : vector<1x16xf32> to vector<16xf32>
        %swap3A_85 = vector.shape_cast %add3A_80 : vector<16xf32> to vector<1x16xf32>
        tpu.vector_store %arg9[%swap3A_81, %swap3A_82], %swap3A_85 {strides = array<i32>} : memref<80x128xf32, #tpu.memory_space<vmem>>, vector<1x16xf32>,
        %get3A_86 = arith.index_cast %scan3A_9 : i32 to index
        %get3A_87 = arith.constant 16 : index
        %get3A_88 = tpu.vector_load %arg9[%get3A_86, %get3A_87] {strides = array<i32>} : memref<80x128xf32, #tpu.memory_space<vmem>>, vector<1x16xf32>,
        %get3A_89 = vector.shape_cast %get3A_88 : vector<1x16xf32> to vector<16xf32>
        %get3A_90 = arith.constant 0 : i32
        %get3A_91 = arith.index_cast %get3A_90 : i32 to index
        %get3A_92 = arith.constant 16 : index
        %get3A_93 = tpu.vector_load %arg8[%get3A_91, %get3A_92] {strides = array<i32>} : memref<1x128xf32, #tpu.memory_space<vmem>>, vector<1x16xf32>,
        %get3A_94 = vector.shape_cast %get3A_93 : vector<1x16xf32> to vector<16xf32>
        %add3A_95 = arith.addf %get3A_89, %get3A_94 : vector<16xf32>
        %swap3A_96 = arith.index_cast %scan3A_9 : i32 to index
        %swap3A_97 = arith.constant 16 : index
        %swap3A_98 = tpu.vector_load %arg9[%swap3A_96, %swap3A_97] {strides = array<i32>} : memref<80x128xf32, #tpu.memory_space<vmem>>, vector<1x16xf32>,
        %swap3A_99 = vector.shape_cast %swap3A_98 : vector<1x16xf32> to vector<16xf32>
        %swap3A_100 = vector.shape_cast %add3A_95 : vector<16xf32> to vector<1x16xf32>
        tpu.vector_store %arg9[%swap3A_96, %swap3A_97], %swap3A_100 {strides = array<i32>} : memref<80x128xf32, #tpu.memory_space<vmem>>, vector<1x16xf32>,
        %get3A_101 = arith.index_cast %scan3A_9 : i32 to index
        %get3A_102 = arith.constant 32 : index
        %get3A_103 = tpu.vector_load %arg9[%get3A_101, %get3A_102] {strides = array<i32>} : memref<80x128xf32, #tpu.memory_space<vmem>>, vector<1x16xf32>,
        %get3A_104 = vector.shape_cast %get3A_103 : vector<1x16xf32> to vector<16xf32>
        %get3A_105 = arith.constant 0 : i32
        %get3A_106 = arith.index_cast %get3A_105 : i32 to index
        %get3A_107 = arith.constant 32 : index
        %get3A_108 = tpu.vector_load %arg8[%get3A_106, %get3A_107] {strides = array<i32>} : memref<1x128xf32, #tpu.memory_space<vmem>>, vector<1x16xf32>,
        %get3A_109 = vector.shape_cast %get3A_108 : vector<1x16xf32> to vector<16xf32>
        %add3A_110 = arith.addf %get3A_104, %get3A_109 : vector<16xf32>
        %swap3A_111 = arith.index_cast %scan3A_9 : i32 to index
        %swap3A_112 = arith.constant 32 : index
        %swap3A_113 = tpu.vector_load %arg9[%swap3A_111, %swap3A_112] {strides = array<i32>} : memref<80x128xf32, #tpu.memory_space<vmem>>, vector<1x16xf32>,
        %swap3A_114 = vector.shape_cast %swap3A_113 : vector<1x16xf32> to vector<16xf32>
        %swap3A_115 = vector.shape_cast %add3A_110 : vector<16xf32> to vector<1x16xf32>
        tpu.vector_store %arg9[%swap3A_111, %swap3A_112], %swap3A_115 {strides = array<i32>} : memref<80x128xf32, #tpu.memory_space<vmem>>, vector<1x16xf32>,
        %get3A_116 = arith.index_cast %scan3A_9 : i32 to index
        %get3A_117 = arith.constant 48 : index
        %get3A_118 = tpu.vector_load %arg9[%get3A_116, %get3A_117] {strides = array<i32>} : memref<80x128xf32, #tpu.memory_space<vmem>>, vector<1x16xf32>,
        %get3A_119 = vector.shape_cast %get3A_118 : vector<1x16xf32> to vector<16xf32>
        %get3A_120 = arith.constant 0 : i32
        %get3A_121 = arith.index_cast %get3A_120 : i32 to index
        %get3A_122 = arith.constant 48 : index
        %get3A_123 = tpu.vector_load %arg8[%get3A_121, %get3A_122] {strides = array<i32>} : memref<1x128xf32, #tpu.memory_space<vmem>>, vector<1x16xf32>,
        %get3A_124 = vector.shape_cast %get3A_123 : vector<1x16xf32> to vector<16xf32>
        %add3A_125 = arith.addf %get3A_119, %get3A_124 : vector<16xf32>
        %swap3A_126 = arith.index_cast %scan3A_9 : i32 to index
        %swap3A_127 = arith.constant 48 : index
        %swap3A_128 = tpu.vector_load %arg9[%swap3A_126, %swap3A_127] {strides = array<i32>} : memref<80x128xf32, #tpu.memory_space<vmem>>, vector<1x16xf32>,
        %swap3A_129 = vector.shape_cast %swap3A_128 : vector<1x16xf32> to vector<16xf32>
        %swap3A_130 = vector.shape_cast %add3A_125 : vector<16xf32> to vector<1x16xf32>
        tpu.vector_store %arg9[%swap3A_126, %swap3A_127], %swap3A_130 {strides = array<i32>} : memref<80x128xf32, #tpu.memory_space<vmem>>, vector<1x16xf32>,
        %get3A_131 = arith.index_cast %scan3A_9 : i32 to index
        %get3A_132 = arith.constant 64 : index
        %get3A_133 = tpu.vector_load %arg9[%get3A_131, %get3A_132] {strides = array<i32>} : memref<80x128xf32, #tpu.memory_space<vmem>>, vector<1x16xf32>,
        %get3A_134 = vector.shape_cast %get3A_133 : vector<1x16xf32> to vector<16xf32>
        %get3A_135 = arith.constant 0 : i32
        %get3A_136 = arith.index_cast %get3A_135 : i32 to index
        %get3A_137 = arith.constant 64 : index
        %get3A_138 = tpu.vector_load %arg8[%get3A_136, %get3A_137] {strides = array<i32>} : memref<1x128xf32, #tpu.memory_space<vmem>>, vector<1x16xf32>,
        %get3A_139 = vector.shape_cast %get3A_138 : vector<1x16xf32> to vector<16xf32>
        %add3A_140 = arith.addf %get3A_134, %get3A_139 : vector<16xf32>
        %swap3A_141 = arith.index_cast %scan3A_9 : i32 to index
        %swap3A_142 = arith.constant 64 : index
        %swap3A_143 = tpu.vector_load %arg9[%swap3A_141, %swap3A_142] {strides = array<i32>} : memref<80x128xf32, #tpu.memory_space<vmem>>, vector<1x16xf32>,
        %swap3A_144 = vector.shape_cast %swap3A_143 : vector<1x16xf32> to vector<16xf32>
        %swap3A_145 = vector.shape_cast %add3A_140 : vector<16xf32> to vector<1x16xf32>
        tpu.vector_store %arg9[%swap3A_141, %swap3A_142], %swap3A_145 {strides = array<i32>} : memref<80x128xf32, #tpu.memory_space<vmem>>, vector<1x16xf32>,
        %get3A_146 = arith.index_cast %scan3A_9 : i32 to index
        %get3A_147 = arith.constant 80 : index
        %get3A_148 = tpu.vector_load %arg9[%get3A_146, %get3A_147] {strides = array<i32>} : memref<80x128xf32, #tpu.memory_space<vmem>>, vector<1x16xf32>,
        %get3A_149 = vector.shape_cast %get3A_148 : vector<1x16xf32> to vector<16xf32>
        %get3A_150 = arith.constant 0 : i32
        %get3A_151 = arith.index_cast %get3A_150 : i32 to index
        %get3A_152 = arith.constant 80 : index
        %get3A_153 = tpu.vector_load %arg8[%get3A_151, %get3A_152] {strides = array<i32>} : memref<1x128xf32, #tpu.memory_space<vmem>>, vector<1x16xf32>,
        %get3A_154 = vector.shape_cast %get3A_153 : vector<1x16xf32> to vector<16xf32>
        %add3A_155 = arith.addf %get3A_149, %get3A_154 : vector<16xf32>
        %swap3A_156 = arith.index_cast %scan3A_9 : i32 to index
        %swap3A_157 = arith.constant 80 : index
        %swap3A_158 = tpu.vector_load %arg9[%swap3A_156, %swap3A_157] {strides = array<i32>} : memref<80x128xf32, #tpu.memory_space<vmem>>, vector<1x16xf32>,
        %swap3A_159 = vector.shape_cast %swap3A_158 : vector<1x16xf32> to vector<16xf32>
        %swap3A_160 = vector.shape_cast %add3A_155 : vector<16xf32> to vector<1x16xf32>
        tpu.vector_store %arg9[%swap3A_156, %swap3A_157], %swap3A_160 {strides = array<i32>} : memref<80x128xf32, #tpu.memory_space<vmem>>, vector<1x16xf32>,
        %get3A_161 = arith.index_cast %scan3A_9 : i32 to index
        %get3A_162 = arith.constant 96 : index
        %get3A_163 = tpu.vector_load %arg9[%get3A_161, %get3A_162] {strides = array<i32>} : memref<80x128xf32, #tpu.memory_space<vmem>>, vector<1x16xf32>,
        %get3A_164 = vector.shape_cast %get3A_163 : vector<1x16xf32> to vector<16xf32>
        %get3A_165 = arith.constant 0 : i32
        %get3A_166 = arith.index_cast %get3A_165 : i32 to index
        %get3A_167 = arith.constant 96 : index
        %get3A_168 = tpu.vector_load %arg8[%get3A_166, %get3A_167] {strides = array<i32>} : memref<1x128xf32, #tpu.memory_space<vmem>>, vector<1x16xf32>,
        %get3A_169 = vector.shape_cast %get3A_168 : vector<1x16xf32> to vector<16xf32>
        %add3A_170 = arith.addf %get3A_164, %get3A_169 : vector<16xf32>
        %swap3A_171 = arith.index_cast %scan3A_9 : i32 to index
        %swap3A_172 = arith.constant 96 : index
        %swap3A_173 = tpu.vector_load %arg9[%swap3A_171, %swap3A_172] {strides = array<i32>} : memref<80x128xf32, #tpu.memory_space<vmem>>, vector<1x16xf32>,
        %swap3A_174 = vector.shape_cast %swap3A_173 : vector<1x16xf32> to vector<16xf32>
        %swap3A_175 = vector.shape_cast %add3A_170 : vector<16xf32> to vector<1x16xf32>
        tpu.vector_store %arg9[%swap3A_171, %swap3A_172], %swap3A_175 {strides = array<i32>} : memref<80x128xf32, #tpu.memory_space<vmem>>, vector<1x16xf32>,
        %get3A_176 = arith.index_cast %scan3A_9 : i32 to index
        %get3A_177 = arith.constant 112 : index
        %get3A_178 = tpu.vector_load %arg9[%get3A_176, %get3A_177] {strides = array<i32>} : memref<80x128xf32, #tpu.memory_space<vmem>>, vector<1x16xf32>,
        %get3A_179 = vector.shape_cast %get3A_178 : vector<1x16xf32> to vector<16xf32>
        %get3A_180 = arith.constant 0 : i32
        %get3A_181 = arith.index_cast %get3A_180 : i32 to index
        %get3A_182 = arith.constant 112 : index
        %get3A_183 = tpu.vector_load %arg8[%get3A_181, %get3A_182] {strides = array<i32>} : memref<1x128xf32, #tpu.memory_space<vmem>>, vector<1x16xf32>,
        %get3A_184 = vector.shape_cast %get3A_183 : vector<1x16xf32> to vector<16xf32>
        %add3A_185 = arith.addf %get3A_179, %get3A_184 : vector<16xf32>
        %swap3A_186 = arith.index_cast %scan3A_9 : i32 to index
        %swap3A_187 = arith.constant 112 : index
        %swap3A_188 = tpu.vector_load %arg9[%swap3A_186, %swap3A_187] {strides = array<i32>} : memref<80x128xf32, #tpu.memory_space<vmem>>, vector<1x16xf32>,
        %swap3A_189 = vector.shape_cast %swap3A_188 : vector<1x16xf32> to vector<16xf32>
        %swap3A_190 = vector.shape_cast %add3A_185 : vector<16xf32> to vector<1x16xf32>
        tpu.vector_store %arg9[%swap3A_186, %swap3A_187], %swap3A_190 {strides = array<i32>} : memref<80x128xf32, #tpu.memory_space<vmem>>, vector<1x16xf32>,
      }
    }
    %scan3A_8 = arith.constant 80 : i32
    "tpu.region"() ({
      %run_scoped3A = tpu.sem_alloc : memref<!tpu.dma_semaphore, #tpu.memory_space<semaphore_mem>>
      %dma_start3A = arith.constant 0 : i32
      %dma_start3A_9 = tpu.memref_slice %arg5[%mul3A_2, %dma_start3A] : memref<2560x128xf32, #tpu.memory_space<hbm>> -> memref<80x128xf32, #tpu.memory_space<hbm>>
      %dma_start3A_10 = arith.constant 0 : i32
      %dma_start3A_11 = tpu.memref_slice %arg5[%mul3A_2, %dma_start3A_10] : memref<2560x128xf32, #tpu.memory_space<hbm>> -> memref<80x128xf32, #tpu.memory_space<hbm>>
      tpu.enqueue_dma source(%arg9 : memref<80x128xf32, #tpu.memory_space<vmem>>) target(%dma_start3A_11 : memref<80x128xf32, #tpu.memory_space<hbm>>) target_semaphore(%run_scoped3A : memref<!tpu.dma_semaphore, #tpu.memory_space<semaphore_mem>>)
      %dma_wait3A = arith.constant 0 : i32
      %dma_wait3A_12 = tpu.memref_slice %arg5[%mul3A_2, %dma_wait3A] : memref<2560x128xf32, #tpu.memory_space<hbm>> -> memref<80x128xf32, #tpu.memory_space<hbm>>
      %dma_wait3A_13 = arith.constant 0 : i32
      %dma_wait3A_14 = tpu.memref_slice %arg5[%mul3A_2, %dma_wait3A_13] : memref<2560x128xf32, #tpu.memory_space<hbm>> -> memref<80x128xf32, #tpu.memory_space<hbm>>
      tpu.wait_dma2 semaphore(%run_scoped3A : memref<!tpu.dma_semaphore, #tpu.memory_space<semaphore_mem>>) src(%arg9 : memref<80x128xf32, #tpu.memory_space<vmem>>) dst(%dma_wait3A_14 : memref<80x128xf32, #tpu.memory_space<hbm>>)
      tpu.yield
    }) : () -> ()
    return
  }
}

module attributes {stable_mosaic.version = 14 : i64} {
  func.func @_mlp_kern(%arg0: memref<2500x128xf32, #tpu.memory_space<vmem>>, %arg1: memref<128x128xf32, #tpu.memory_space<vmem>>, %arg2: memref<1x128xf32, #tpu.memory_space<vmem>>, %arg3: memref<128x128xf32, #tpu.memory_space<vmem>>, %arg4: memref<1x128xf32, #tpu.memory_space<vmem>>, %arg5: memref<2500x128xf32, #tpu.memory_space<vmem>>) attributes {dimension_semantics = [], scalar_prefetch = 0 : i64, scratch_operands = 0 : i64, tpu.core_type = #tpu.core_type<tc>} {
    %get3A = arith.constant 0 : index
    %get3A_0 = arith.constant 0 : index
    %get3A_1 = vector.load %arg0[%get3A, %get3A_0] : memref<2500x128xf32, #tpu.memory_space<vmem>>, vector<2500x128xf32>
    %get3A_2 = arith.constant 0 : index
    %get3A_3 = arith.constant 0 : index
    %get3A_4 = vector.load %arg1[%get3A_2, %get3A_3] : memref<128x128xf32, #tpu.memory_space<vmem>>, vector<128x128xf32>
    %dot_general3A = arith.constant dense<0.000000e+00> : vector<2500x128xf32>
    %dot_general3A_5 = tpu.matmul %get3A_1, %get3A_4, %dot_general3A {dimension_numbers = #tpu.dot_dimension_numbers<[1], [1], [0], [0], [0, 0, 1, 0], [], []>, transpose_lhs_hint = false} : vector<2500x128xf32>, vector<128x128xf32>, vector<2500x128xf32> -> vector<2500x128xf32>
    %get3A_6 = arith.constant 0 : index
    %get3A_7 = arith.constant 0 : index
    %get3A_8 = vector.load %arg2[%get3A_6, %get3A_7] : memref<1x128xf32, #tpu.memory_space<vmem>>, vector<1x128xf32>
    %add3A = vector.broadcast %get3A_8 : vector<1x128xf32> to vector<2500x128xf32>
    %add3A_9 = arith.addf %dot_general3A_5, %add3A : vector<2500x128xf32>
    %exp3A = math.exp %add3A_9 : vector<2500x128xf32>
    %add3A_10 = arith.constant 2.000000e+00 : f32
    %add3A_11 = vector.broadcast %add3A_10 : f32 to vector<2500x128xf32>
    %add3A_12 = arith.addf %exp3A, %add3A_11 : vector<2500x128xf32>
    %mul3A = arith.mulf %exp3A, %add3A_12 : vector<2500x128xf32>
    %gt3A = arith.constant 2.000000e+01 : f32
    %gt3A_13 = vector.broadcast %gt3A : f32 to vector<2500x128xf32>
    %gt3A_14 = arith.cmpf ogt, %add3A_9, %gt3A_13 : vector<2500x128xf32>
    %add3A_15 = arith.constant 2.000000e+00 : f32
    %add3A_16 = vector.broadcast %add3A_15 : f32 to vector<2500x128xf32>
    %add3A_17 = arith.addf %mul3A, %add3A_16 : vector<2500x128xf32>
    %div3A = arith.divf %mul3A, %add3A_17 : vector<2500x128xf32>
    %mul3A_18 = arith.mulf %add3A_9, %div3A : vector<2500x128xf32>
    %select_n3A = arith.select %gt3A_14, %add3A_9, %mul3A_18 : vector<2500x128xi1>, vector<2500x128xf32>
    %get3A_19 = arith.constant 0 : index
    %get3A_20 = arith.constant 0 : index
    %get3A_21 = vector.load %arg3[%get3A_19, %get3A_20] : memref<128x128xf32, #tpu.memory_space<vmem>>, vector<128x128xf32>
    %dot_general3A_22 = arith.constant dense<0.000000e+00> : vector<2500x128xf32>
    %dot_general3A_23 = tpu.matmul %select_n3A, %get3A_21, %dot_general3A_22 {dimension_numbers = #tpu.dot_dimension_numbers<[1], [1], [0], [0], [0, 0, 1, 0], [], []>, transpose_lhs_hint = false} : vector<2500x128xf32>, vector<128x128xf32>, vector<2500x128xf32> -> vector<2500x128xf32>
    %get3A_24 = arith.constant 0 : index
    %get3A_25 = arith.constant 0 : index
    %get3A_26 = vector.load %arg4[%get3A_24, %get3A_25] : memref<1x128xf32, #tpu.memory_space<vmem>>, vector<1x128xf32>
    %add3A_27 = vector.broadcast %get3A_26 : vector<1x128xf32> to vector<2500x128xf32>
    %add3A_28 = arith.addf %dot_general3A_23, %add3A_27 : vector<2500x128xf32>
    %swap3A = arith.constant 0 : index
    %swap3A_29 = arith.constant 0 : index
    %swap3A_30 = vector.load %arg5[%swap3A, %swap3A_29] : memref<2500x128xf32, #tpu.memory_space<vmem>>, vector<2500x128xf32>
    tpu.vector_store %arg5[%swap3A, %swap3A_29], %add3A_28 {strides = array<i32>} : memref<2500x128xf32, #tpu.memory_space<vmem>>, vector<2500x128xf32>,
    return
  }
}

</mosaic_0001>

<sc_bundles>
// kernel: hybrid.4.cloned.1.call-start
scs
__scs_entry_jumppad:
0x0: {  	(pc) =	sbr.rel $0x88, $3  }
0x1: {  	(tag) =	ssettag $0x0;
	lr =	simm.s32 $0x1  }
0x2: {  	[smem:$0x3F9B] =	sst lr;
	_ =	strace $0xD0000000  }
0x3: {  	_ = 	snop  }
0x4: {  	_ = 	snop  }
0x5: {  	_ = 	snop  }
0x6: {  	_ = 	snop  }
0x7: {  	_ = 	snop  }
__scs_overlays_trampoline_lowered:
0x8: {  	[smem:$0x3FAA] =	sst s0  }
0x9: {  	[smem:$0x3FAB] =	sst s1  }
0xa: {  	[smem:$0x3FAC] =	sst s2  }
0xb: {  	[smem:$0x3FAD] =	sst s3  }
0xc: {  	[smem:$0x3FAE] =	sst s4  }
0xd: {  	[smem:$0x3FAF] =	sst s5  }
0xe: {  	[smem:$0x3FB0] =	sst s6  }
0xf: {  	[smem:$0x3FB1] =	sst s7  }
0x10: {  	[smem:$0x3FB2] =	sst s8  }
0x11: {  	[smem:$0x3FB3] =	sst s9;
	s0 =	simm.s32 @!p0 $0x0  }
0x12: {  	s1 =	sld [smem:$0x3F99];
	s0 =	simm.s32 @p0 $0x1  }
0x13: {  	[smem:$0x3FB4] =	sst s0;
	s0 =	simm.s32 @!p1 $0x0  }
0x14: {  	s2 =	sld [smem:$0x3F98];
	s0 =	simm.s32 @p1 $0x1  }
0x15: {  	[smem:$0x3FB5] =	sst s0;
	s0 =	simm.s32 @!p2 $0x0  }
0x16: {  	s3 =	sld [smem:$0x3FDB];
	s0 =	simm.s32 @p2 $0x1  }
0x17: {  	s4 =	simm.s32 $0x1BF5;
	[smem:$0x3FB7] =	sst s0  }
0x18: {  	s0 =	sld [smem:$0x3F9A];
	_ =	swait.ge [sflag:s4], $0x0  }
0x19: {  	s7 =	sld [smem:$0x3F9B]  }
0x1a: {  	s8 =	sadd.s32 $0xFFFFE003, lr  }
0x1b: {  	s9 =	sadd.s32 $0xFFFFFEF7, lr;
	s5 =	simm.s32 $0xFFFFFFFF;
	p2 =	slt.u32 s8, $0xFFFFF086  }
0x1c: {  	p1 =	slt.u32 s9, $0xF7A;
	s5 =	simm.s32 @!p2 $0x0  }
0x1d: {  	s5 =	simm.s32 @p1 $0x1;
	p0 =	seq.s32 s7, s2  }
0x1e: {  	s7 =	smul.u32 @!p0 $0xF7A, s2;
	p2 =	seq.s32 @!p0 s5, $0x0  }
0x1f: {  	s9 =	smul.u32 $0xF7A, s1;
	s8 =	simm.s32 @!p0 $0x1BF5;
	p2 =	por !p2, p0  }
0x20: {  	[sflag:s8] =	ssyncset.s32 @!p0 $0xFFFFF086;
	s6 =	sadd.s32 @!p0 s3, s7;
	s7 =	simm.s32 @!p0 $0x108  }
0x21: {  	s3 =	sadd.s32 s3, s9;
	s6 =	sadd.s32 @!p0 $0x88, s6;
	s7 =	simm.s32 @p2 $0x1082  }
0x22: {  	[simem:s7], [sflag:s8] =	dma.local @!p0 [hbm:s6], $0xF7A  }
0x23: {  	s9 =	sor.u32 $0xD0000000, s2;
	s6 =	simm.s32 $0x108;
	_ =	swait.ge @!p0 [sflag:s8], $0x0  }
0x24: {  	s3 =	sadd.s32 $0x88, s3;
	s6 =	simm.s32 @!p1 $0x1082;
	[sflag:s4] =	ssyncset.s32 $0xFFFFF086  }
0x25: {  	[simem:s6], [sflag:s4] =	dma.local [hbm:s3], $0xF7A  }
0x26: {  	[smem:$0x3F9B] =	sst s1;
	(tag) =	ssettag s2;
	_ =	strace s9  }
0x27: {  	s1 =	sld [smem:$0x3FAB]  }
0x28: {  	s2 =	sld [smem:$0x3FAC]  }
0x29: {  	s4 =	sld [smem:$0x3FAE]  }
0x2a: {  	p0 =	seq.s32 s5, $0x0;
	s5 =	sld [smem:$0x3FAF]  }
0x2b: {  	s6 =	sld [smem:$0x3FB0]  }
0x2c: {  	s7 =	sld [smem:$0x3FB1]  }
0x2d: {  	s3 =	simm.s32 $0x108;
	s8 =	sld [smem:$0x3FB2]  }
0x2e: {  	s3 =	simm.s32 @!p0 $0x1082;
	s9 =	sld [smem:$0x3FB3]  }
0x2f: {  	lr =	sadd.s32 s0, s3;
	s0 =	sld [smem:$0x3FAA]  }
0x30: {  	s3 =	sld [smem:$0x3FAD]  }
0x31: {  	[smem:$0x3FB6] =	sst s10  }
0x32: {  	s10 =	sld [smem:$0x3FB4];
	_ =	sdelay $0x3  }
0x33: {  	p0 =	seq.s32 s10, $0x1;
	s10 =	sld [smem:$0x3FB6];
	_ =	sdelay $0x3  }
0x34: {  	[smem:$0x3FB6] =	sst s10  }
0x35: {  	s10 =	sld [smem:$0x3FB5];
	_ =	sdelay $0x3  }
0x36: {  	p1 =	seq.s32 s10, $0x1;
	s10 =	sld [smem:$0x3FB6];
	_ =	sdelay $0x3  }
0x37: {  	[smem:$0x3FB6] =	sst s10  }
0x38: {  	s10 =	sld [smem:$0x3FB7]  }
0x39: {  	_ = 	snop;
	(pc) =	sbr.ind lr, $3  }
0x3a: {  	_ = 	snop  }
0x3b: {  	_ = 	snop  }
0x3c: {  	p2 =	seq.s32 s10, $0x1;
	s10 =	sld [smem:$0x3FB6]  }
0x3d: {  	_ =	shalt  }
0x3e: {  	_ =	shalt  }
0x3f: {  	_ =	shalt  }
0x40: {  	_ =	shalt  }
0x41: {  	_ =	shalt  }
0x42: {  	_ =	shalt  }
0x43: {  	_ =	shalt  }
0x44: {  	_ =	shalt  }
0x45: {  	_ =	shalt  }
0x46: {  	_ =	shalt  }
0x47: {  	_ =	shalt  }
0x48: {  	_ =	shalt  }
0x49: {  	_ =	shalt  }
0x4a: {  	_ =	shalt  }
0x4b: {  	_ =	shalt  }
0x4c: {  	_ =	shalt  }
0x4d: {  	_ =	shalt  }
0x4e: {  	_ =	shalt  }
0x4f: {  	_ =	shalt  }
0x50: {  	_ =	shalt  }
0x51: {  	_ =	shalt  }
0x52: {  	_ =	shalt  }
0x53: {  	_ =	shalt  }
0x54: {  	_ =	shalt  }
0x55: {  	_ =	shalt  }
0x56: {  	_ =	shalt  }
0x57: {  	_ =	shalt  }
0x58: {  	_ =	shalt  }
0x59: {  	_ =	shalt  }
0x5a: {  	_ =	shalt  }
0x5b: {  	_ =	shalt  }
0x5c: {  	_ =	shalt  }
0x5d: {  	_ =	shalt  }
0x5e: {  	_ =	shalt  }
0x5f: {  	_ =	shalt  }
0x60: {  	_ =	shalt  }
0x61: {  	_ =	shalt  }
0x62: {  	_ =	shalt  }
0x63: {  	_ =	shalt  }
0x64: {  	_ =	shalt  }
0x65: {  	_ =	shalt  }
0x66: {  	_ =	shalt  }
0x67: {  	_ =	shalt  }
0x68: {  	_ =	shalt  }
0x69: {  	_ =	shalt  }
0x6a: {  	_ =	shalt  }
0x6b: {  	_ =	shalt  }
0x6c: {  	_ =	shalt  }
0x6d: {  	_ =	shalt  }
0x6e: {  	_ =	shalt  }
0x6f: {  	_ =	shalt  }
0x70: {  	_ =	shalt  }
0x71: {  	_ =	shalt  }
0x72: {  	_ =	shalt  }
0x73: {  	_ =	shalt  }
0x74: {  	_ =	shalt  }
0x75: {  	_ =	shalt  }
0x76: {  	_ =	shalt  }
0x77: {  	_ =	shalt  }
0x78: {  	_ =	shalt  }
0x79: {  	_ =	shalt  }
0x7a: {  	_ =	shalt  }
0x7b: {  	_ =	shalt  }
0x7c: {  	_ =	shalt  }
0x7d: {  	_ =	shalt  }
0x7e: {  	_ =	shalt  }
0x7f: {  	_ =	shalt  }
0x80: {  	_ =	shalt  }
0x81: {  	_ =	shalt  }
0x82: {  	_ =	shalt  }
0x83: {  	_ =	shalt  }
0x84: {  	_ =	shalt  }
0x85: {  	_ =	shalt  }
0x86: {  	_ =	shalt  }
0x87: {  	_ =	shalt  }
.Lfunc_end0:
.L_simem_size_0:
called_computation_lowered:
.L_overlay_start_0:
0x88: {  	s2 =	sld [smem:$0x3FD9]  }
0x89: {  	s3 =	sld [smem:$0x3FFE];
	_ =	sdelay $0x1  }
0x8a: {  	s1 =	srdreg.scid  }
0x8b: {  	s0 =	sand.u32 $0x1, s1  }
0x8c: {  	s17 =	sshll.u32 s0, $0xA;
	s2 =	sadd.s32 s3, s2  }
0x8d: {  	s2 =	sadd.s32 s2, s17  }
0x8e: {  	[smem:$0x3FC2] =	sst s2  }
0x8f: {  	_ = 	snop  }
0x90: {  	s2 =	sld [smem:$0x3FC9]  }
0x91: {  	s18 =	sld [smem:$0x3FD0];
	(tm) =	ssettm $0x1  }
0x92: {  	s4 =	sld [smem:$0x3FFB];
	_ =	sdelay $0x3  }
0x93: {  	_ =	strace s4  }
0x94: {  	s4 =	sld [smem:$0x3FFC];
	_ =	sdelay $0x3  }
0x95: {  	_ =	strace s4  }
0x96: {  	s4 =	sld [smem:$0x3FFD];
	_ =	sdelay $0x3  }
0x97: {  	_ =	strace s4  }
0x98: {  	_ =	strace $0x8FFFFFFF  }
0x99: {  	s19 =	sld [smem:$0x3FDB];
	_ =	sdelay $0x1  }
0x9a: {  	s5 =	simm.s32 $_scs_section_size  }
0x9b: {  	s6 =	simm.s32 $_size__tile_overlayer_lowered;
	s7 =	simm.s32 $_tile_overlayer_lowered  }
0x9c: {  	s22 =	simm.s32 $0x1BFF;
	s21 =	sshll.u32 s7, $0x1;
	s4 =	sadd.s32 s5, s19  }
0x9d: {  	s8 =	simm.s32 $0x0;
	s20 =	sshll.u32 s6, $0x1;
	s6 =	sadd.s32 s21, s4  }
0x9e: {  	[timem:s8], [sflag:s22] =	dma.local [hbm:s6], s20  }
0x9f: {  	_ =	swait.ge [sflag:s22], s20  }
0xa0: {  	s5 =	ssub.s32 $0x0, s20;
	[sflag:s22] =	ssyncset.done $0x0  }
0xa1: {  	[sflag:s22] =	ssyncadd.s32 s5;
	_ =	sdelay $0x1  }
0xa2: {  	s23 =	simm.s32 $0x1B8B  }
0xa3: {  	_ =	swait.ge [sflag:s23], $0x1  }
0xa4: {  	[sflag:s23] =	ssyncset.done $0x0  }
0xa5: {  	s25 =	simm.s32 $0x1B8E;
	s24 =	sld [smem:$0x3FFE];
	[sflag:s23] =	ssyncadd.s32 $0xFFFFFFFF  }
0xa6: {  	s26 =	simm.s32 $execute0_lowered;
	[smem:$0x3FD2] =	sst s25  }
0xa7: {  	s6 =	sshll.u32 s26, $0x1;
	_ =	strace $0x80000046;
	[dreg:$0x1] =	wrdreg $0xFFFFFFFF  }
0xa8: {  	s28 =	simm.s32 $_size_execute0_lowered;
	s4 =	sadd.s32 s4, s6;
	[dreg:$0x0] =	wrdreg $0x0  }
0xa9: {  	s6 =	sshll.u32 s28, $0x1;
	[dreg:$0x2] =	wrdreg s4  }
0xaa: {  	[dreg:$0x3] =	wrdreg s6  }
0xab: {  	[dreg:$0x4] =	wrdreg $0xC0  }
0xac: {  	_ =	task [dreg:s8], $0x5FFFF  }
0xad: {  	[dreg:$0x1] =	wrdreg $0xFFFFFFFF  }
0xae: {  	[dreg:$0x0] =	wrdreg $0x60  }
0xaf: {  	[dreg:$0x2] =	wrdreg s2  }
0xb0: {  	[dreg:$0x3] =	wrdreg s18  }
0xb1: {  	[dreg:$0x4] =	wrdreg s24  }
0xb2: {  	[dreg:$0x5] =	wrdreg $0x9  }
0xb3: {  	_ =	task.clear_ibuf [dreg:s8], $0x6FFFF;
	_ =	strace $0x90000046  }
0xb4: {  	s29 =	simm.s32 $0x9;
	_ =	strace $0x80000048  }
0xb5: {  	_ =	swait.ge [sflag:s29], $0x1  }
0xb6: {  	[sflag:s29] =	ssyncadd.s32 $0xFFFFFFFF  }
0xb7: {  	_ =	strace $0x90000048  }
0xb8: {  	_ =	sfence  }
0xb9: {  	s30 =	sld [smem:$0x0];
	_ =	sdelay $0x2  }
0xba: {  	s31 =	sshll.u32 s1, $0xD;
	s1 =	sshrl.u32 s1, $0x2  }
0xbb: {  	s3 =	sand.u32 $0x4000, s31;
	s1 =	sadd.s32 s1, s30  }
0xbc: {  	s0 =	sor.u32 s3, s0;
	s1 =	sshll.u32 s1, $0x11  }
0xbd: {  	s0 =	sor.u32 s1, s0  }
0xbe: {  	s0 =	sadd.s32 $0x8F2B, s0  }
0xbf: {  	[sflag:s0] =	ssyncadd.remote.s32 $0x1  }
0xc0: {  	_ =	sfence.sel $0xFFFF  }
0xc1: {  	[dreg:$0x0] =	wrdreg $0xFFFFFFFF;
	(pc) =	sbr.abs _section_cstart, $3  }
0xc2: {  	[dreg:$0x1] =	wrdreg $0xFFFFFFFF  }
0xc3: {  	_ =	task.clear_ibuf [dreg:s8], $0x2FFFF;
	_ =	strace $0x9FFFFFFF  }
0xc4: {  	(tm) =	ssettm $0x7FFFFFFF  }
0xc5: {  	_ =	shalt  }
tec
execute0_lowered:
.L_overlay_start_1:
0x0: {  	(tag) =	ssettag $0x1  }
0x1: {  	s1 =	rddreg [dreg:$0x0]  }
0x2: {  	s2 =	srdreg.scid;
	s0 =	stileid.u32  }
0x3: {  	s4 =	rddreg [dreg:$0x1];
	s5 =	sand.u32 $0x1, s2;
	s30 =	sshll.u32 s0, $0x1  }
0x4: {  	s6 =	rddreg [dreg:$0x2];
	s3 =	simm.s32 $0x0;
	s7 =	sor.u32 s5, s30  }
0x5: {  	s11 =	simm.s32 $0x1;
	s12 =	simm.s32 $0x180;
	s8 =	smul.u32 $0xA, s7  }
0x6: {  	s13 =	simm.s32 $0x0;
	s5 =	ssub.s32 $0x2, s5;
	s7 =	smul.u32 $0x500, s7  }
.Ltmp0:
0x7: {  	[smem:$0x7FF] =	sst s3;
	s10 =	sshrl.u32 s5, $0x1;
	(pc) =	sbr.rel .LBB2_1-.Ltmp0, $4  }
0x8: {  	s2 =	rddreg [dreg:$0x3];
	_ =	strace $0x80000047;
	s31 =	ssub.s32 s5, s10  }
0x9: {  	s10 =	simm.s32 $0x100;
	s9 =	sadd.s32 s8, s6;
	s6 =	sadd.s32 s7, s6  }
0xa: {  	s4 =	sadd.s32 s4, s8;
	s7 =	smax.u32 s31, $0x1;
	s8 =	simm.s32 $0x2  }
0xb: {  	v0 =	vimm.f32 $0.0e+00;
	s5 =	sadd.s32 $0x200, s9;
	s6 =	sadd.s32 $0x400, s6;
	s9 =	simm.s32 $0x80  }
.LBB2_9:
0xc: {  	s13 =	sadd.s32 $0x1, s13  }
0xd: {  	p0 =	sne.s32 s13, s7  }
.Ltmp1:
0xe: {  	_ = 	snop;
	(pc) =	sbr.rel @!p0 .LBB2_10-.Ltmp1, $4  }
0xf: {  	[hbm4b:s6+s3] =	stream.linear.scatter [tilespmem:s12], [sflag:$0x2], $0x2800, $0x38;
	[tilespmem:$0x2980] =	vst v63  }
0x10: {  	_ =	swait.ge [sflag:s8], $0x2800  }
0x11: {  	[sflag:s8] =	ssyncset.done $0x0  }
0x12: {  	[sflag:s8] =	ssyncadd.s32 $0xFFFFD800  }
.LBB2_1:
0x13: {  	[tilespmem:s3], [sflag:$0x2] =	stream.linear.gather [hbm4b:s4+s3], $0x50, $0x38;
	[tilespmem:$0x2980] =	vst v63  }
0x14: {  	_ =	swait.ge [sflag:s8], $0x50  }
0x15: {  	[sflag:s8] =	ssyncset.done $0x0  }
.Ltmp2:
0x16: {  	[sflag:s8] =	ssyncadd.s32 $0xFFFFFFB0;
	(pc) =	sbr.rel .LBB2_2-.Ltmp2, $4  }
0x17: {  	[tilespmem:s9], [sflag:$0x2] =	stream.linear.gather [hbm4b:s5+s3], $0x50, $0x38;
	[tilespmem:$0x2980] =	vst v63  }
0x18: {  	_ =	swait.ge [sflag:s8], $0x50  }
0x19: {  	[sflag:s8] =	ssyncset.done $0x0  }
0x1a: {  	s14 =	simm.s32 $0x0;
	[sflag:s8] =	ssyncadd.s32 $0xFFFFFFB0  }
.LBB2_4:
0x1b: {  	_ = 	snop  }
.LBB2_7:
0x1c: {  	s16 =	sand.u32 $0x1FFFFFF0, s16  }
0x1d: {  	[tilespmem:s15+$0x1F0] =	vst @p0 v1;
	s16 =	sadd.s32 s1, s16  }
0x1e: {  	[tilespmem:s10], [sflag:$0x1] =	stream.linear.gather [hbm4b:s16+s3], $0x80, $0x38;
	[tilespmem:$0x2980] =	vst v63  }
0x1f: {  	_ =	swait.ge [sflag:s11], $0x80  }
0x20: {  	[sflag:s11] =	ssyncset.done $0x0  }
0x21: {  	[sflag:s11] =	ssyncadd.s32 $0xFFFFFF80  }
0x22: {  	v1 =	vld [tilespmem:s15+$0x180]  }
0x23: {  	v2 =	vld [tilespmem:$0x100];
	_ =	sdelay $0x4  }
0x24: {  	v1 =	vadd.f32 v2, v1;
	_ =	sdelay $0x1  }
0x25: {  	v2 =	vld [tilespmem:s15+$0x190];
	[tilespmem:s15+$0x180] =	vst v1  }
0x26: {  	v1 =	vld [tilespmem:$0x110];
	_ =	sdelay $0x4  }
0x27: {  	v1 =	vadd.f32 v1, v2;
	_ =	sdelay $0x1  }
0x28: {  	v2 =	vld [tilespmem:s15+$0x1A0];
	[tilespmem:s15+$0x190] =	vst v1  }
0x29: {  	v1 =	vld [tilespmem:$0x120];
	_ =	sdelay $0x4  }
0x2a: {  	v1 =	vadd.f32 v1, v2;
	_ =	sdelay $0x1  }
0x2b: {  	v2 =	vld [tilespmem:s15+$0x1B0];
	[tilespmem:s15+$0x1A0] =	vst v1  }
0x2c: {  	v1 =	vld [tilespmem:$0x130];
	_ =	sdelay $0x4  }
0x2d: {  	v1 =	vadd.f32 v1, v2;
	_ =	sdelay $0x1  }
0x2e: {  	v2 =	vld [tilespmem:s15+$0x1C0];
	[tilespmem:s15+$0x1B0] =	vst v1  }
0x2f: {  	v1 =	vld [tilespmem:$0x140];
	_ =	sdelay $0x4  }
0x30: {  	v1 =	vadd.f32 v1, v2;
	_ =	sdelay $0x1  }
0x31: {  	v2 =	vld [tilespmem:s15+$0x1D0];
	[tilespmem:s15+$0x1C0] =	vst v1  }
0x32: {  	v1 =	vld [tilespmem:$0x150];
	_ =	sdelay $0x4  }
0x33: {  	v1 =	vadd.f32 v1, v2;
	_ =	sdelay $0x1  }
0x34: {  	v2 =	vld [tilespmem:s15+$0x1E0];
	[tilespmem:s15+$0x1D0] =	vst v1  }
0x35: {  	v1 =	vld [tilespmem:$0x160];
	_ =	sdelay $0x4  }
0x36: {  	v1 =	vadd.f32 v1, v2;
	_ =	sdelay $0x1  }
0x37: {  	v2 =	vld [tilespmem:s15+$0x1F0];
	[tilespmem:s15+$0x1E0] =	vst v1  }
0x38: {  	v1 =	vld [tilespmem:$0x170];
	_ =	sdelay $0x4  }
0x39: {  	v1 =	vadd.f32 v1, v2;
	_ =	sdelay $0x1  }
0x3a: {  	[tilespmem:s15+$0x1F0] =	vst v1  }
.LBB2_8:
0x3b: {  	s14 =	sadd.s32 $0x1, s14  }
0x3c: {  	p0 =	sne.s32 s14, $0x50  }
.Ltmp3:
0x3d: {  	_ = 	snop;
	(pc) =	sbr.rel @!p0 .LBB2_9-.Ltmp3, $1  }
0x3e: {  	_ =	sdelay $0x3  }
.LBB2_2:
0x3f: {  	v1 =	vld [tilespmem:s14+$0x0]  }
0x40: {  	v2 =	vld [tilespmem:s14+$0x80];
	_ =	sdelay $0x3  }
0x41: {  	(v2sf) =	vpush v1, $0x0  }
0x42: {  	(v2sf) =	vpush v2, $0x0;
	_ =	sdelay $0xb  }
0x43: {  	s15 =	sshll.u32 s14, $0x7  }
0x44: {  	s15 =	sand.u32 $0x3FFFFF80, s15  }
0x45: {  	[tilespmem:s15+$0x180] =	vst v0;
	s16 =	spop (v2sf)  }
0x46: {  	[tilespmem:s15+$0x190] =	vst v0;
	s17 =	spop (v2sf)  }
0x47: {  	[tilespmem:s15+$0x1A0] =	vst v0;
	p0 =	sle.s32 s17, s16  }
.Ltmp4:
0x48: {  	[tilespmem:s15+$0x1B0] =	vst v0;
	(pc) =	sbr.rel @p0 .LBB2_8-.Ltmp4, $4  }
0x49: {  	[tilespmem:s15+$0x1C0] =	vst v0  }
0x4a: {  	[tilespmem:s15+$0x1D0] =	vst v0  }
0x4b: {  	[tilespmem:s15+$0x1E0] =	vst v0  }
0x4c: {  	[tilespmem:s15+$0x1F0] =	vst v0  }
0x4d: {  	s17 =	ssub.s32 s17, s16  }
0x4e: {  	p1 =	sne.s32 s17, $0x1  }
.Ltmp5:
0x4f: {  	_ = 	snop;
	(pc) =	sbr.rel @!p1 .LBB2_4-.Ltmp5, $2  }
0x50: {  	_ =	sdelay $0x2  }
0x51: {  	s16 =	sshll.u32 s16, $0x4;
	p0 =	por $0x0, $0x0;
	s17 =	sadd.s32 $0xFFFFFFFF, s17  }
0x52: {  	s18 =	sand.u32 $0x1FFFFFF0, s16  }
0x53: {  	s18 =	sadd.s32 s1, s18  }
0x54: {  	[tilespmem:s10], [sflag:$0x1] =	stream.linear.gather [hbm4b:s18+s3], $0x80, $0x38;
	[tilespmem:$0x2980] =	vst v63  }
0x55: {  	_ =	swait.ge [sflag:s11], $0x80  }
0x56: {  	[sflag:s11] =	ssyncset.done $0x0  }
0x57: {  	[sflag:s11] =	ssyncadd.s32 $0xFFFFFF80  }
0x58: {  	v1 =	vld [tilespmem:s15+$0x180]  }
0x59: {  	v2 =	vld [tilespmem:$0x100];
	_ =	sdelay $0x4  }
0x5a: {  	v1 =	vadd.f32 v2, v1;
	_ =	sdelay $0x1  }
0x5b: {  	v2 =	vld [tilespmem:s15+$0x190];
	[tilespmem:s15+$0x180] =	vst v1  }
0x5c: {  	v1 =	vld [tilespmem:$0x110];
	_ =	sdelay $0x4  }
0x5d: {  	v1 =	vadd.f32 v1, v2;
	_ =	sdelay $0x1  }
0x5e: {  	v2 =	vld [tilespmem:s15+$0x1A0];
	[tilespmem:s15+$0x190] =	vst v1  }
0x5f: {  	v1 =	vld [tilespmem:$0x120];
	_ =	sdelay $0x4  }
0x60: {  	v1 =	vadd.f32 v1, v2;
	_ =	sdelay $0x1  }
0x61: {  	v2 =	vld [tilespmem:s15+$0x1B0];
	[tilespmem:s15+$0x1A0] =	vst v1  }
0x62: {  	v1 =	vld [tilespmem:$0x130];
	_ =	sdelay $0x4  }
0x63: {  	v1 =	vadd.f32 v1, v2;
	_ =	sdelay $0x1  }
0x64: {  	v2 =	vld [tilespmem:s15+$0x1C0];
	[tilespmem:s15+$0x1B0] =	vst v1  }
0x65: {  	v1 =	vld [tilespmem:$0x140];
	_ =	sdelay $0x4  }
0x66: {  	v1 =	vadd.f32 v1, v2;
	_ =	sdelay $0x1  }
0x67: {  	v2 =	vld [tilespmem:s15+$0x1D0];
	[tilespmem:s15+$0x1C0] =	vst v1  }
0x68: {  	v1 =	vld [tilespmem:$0x150];
	_ =	sdelay $0x4  }
0x69: {  	v1 =	vadd.f32 v1, v2;
	_ =	sdelay $0x1  }
0x6a: {  	v2 =	vld [tilespmem:s15+$0x1E0];
	[tilespmem:s15+$0x1D0] =	vst v1  }
0x6b: {  	v1 =	vld [tilespmem:$0x160];
	_ =	sdelay $0x4  }
0x6c: {  	v1 =	vadd.f32 v1, v2;
	_ =	sdelay $0x1  }
0x6d: {  	v2 =	vld [tilespmem:s15+$0x1F0];
	[tilespmem:s15+$0x1E0] =	vst v1  }
0x6e: {  	p1 =	sne.s32 s17, $0x1;
	v1 =	vld [tilespmem:$0x170]  }
.Ltmp6:
0x6f: {  	_ = 	snop;
	(pc) =	sbr.rel @!p1 .LBB2_7-.Ltmp6, $2  }
0x70: {  	_ =	sdelay $0x2  }
0x71: {  	s17 =	sadd.s32 $0xFFFFFFFF, s17;
	s16 =	sadd.s32 $0x10, s16;
	p0 =	por $0x1, $0x1;
	v1 =	vadd.f32 v1, v2  }
.LBB2_6:
0x72: {  	p1 =	sne.s32 s17, $0x1;
	s17 =	sadd.s32 $0xFFFFFFFF, s17;
	s18 =	sand.u32 $0x1FFFFFF0, s16  }
0x73: {  	s18 =	sadd.s32 s1, s18;
	[tilespmem:s15+$0x1F0] =	vst v1  }
0x74: {  	[tilespmem:s10], [sflag:$0x1] =	stream.linear.gather [hbm4b:s18+s3], $0x80, $0x38;
	[tilespmem:$0x2980] =	vst v63  }
0x75: {  	_ =	swait.ge [sflag:s11], $0x80  }
0x76: {  	[sflag:s11] =	ssyncset.done $0x0  }
0x77: {  	[sflag:s11] =	ssyncadd.s32 $0xFFFFFF80  }
0x78: {  	v1 =	vld [tilespmem:s15+$0x180]  }
0x79: {  	v2 =	vld [tilespmem:$0x100]  }
0x7a: {  	v3 =	vld [tilespmem:s15+$0x190]  }
0x7b: {  	v4 =	vld [tilespmem:s15+$0x1A0]  }
0x7c: {  	v5 =	vld [tilespmem:s15+$0x1B0]  }
0x7d: {  	v6 =	vld [tilespmem:s15+$0x1C0]  }
0x7e: {  	v1 =	vadd.f32 v2, v1;
	v2 =	vld [tilespmem:s15+$0x1D0]  }
0x7f: {  	v7 =	vld [tilespmem:s15+$0x1E0]  }
0x80: {  	[tilespmem:s15+$0x180] =	vst v1;
	v1 =	vld [tilespmem:s15+$0x1F0]  }
0x81: {  	v8 =	vld [tilespmem:$0x110];
	_ =	sdelay $0x4  }
0x82: {  	v3 =	vadd.f32 v8, v3;
	_ =	sdelay $0x1  }
0x83: {  	[tilespmem:s15+$0x190] =	vst v3  }
0x84: {  	v3 =	vld [tilespmem:$0x120];
	_ =	sdelay $0x4  }
0x85: {  	v3 =	vadd.f32 v3, v4;
	_ =	sdelay $0x1  }
0x86: {  	[tilespmem:s15+$0x1A0] =	vst v3  }
0x87: {  	v3 =	vld [tilespmem:$0x130];
	_ =	sdelay $0x4  }
0x88: {  	v3 =	vadd.f32 v3, v5;
	_ =	sdelay $0x1  }
0x89: {  	[tilespmem:s15+$0x1B0] =	vst v3  }
0x8a: {  	v3 =	vld [tilespmem:$0x140];
	_ =	sdelay $0x4  }
0x8b: {  	v3 =	vadd.f32 v3, v6;
	_ =	sdelay $0x1  }
0x8c: {  	[tilespmem:s15+$0x1C0] =	vst v3  }
0x8d: {  	v3 =	vld [tilespmem:$0x150];
	_ =	sdelay $0x4  }
0x8e: {  	v2 =	vadd.f32 v3, v2;
	_ =	sdelay $0x1  }
0x8f: {  	[tilespmem:s15+$0x1D0] =	vst v2  }
0x90: {  	v2 =	vld [tilespmem:$0x160];
	_ =	sdelay $0x4  }
0x91: {  	v2 =	vadd.f32 v2, v7;
	_ =	sdelay $0x1  }
0x92: {  	[tilespmem:s15+$0x1E0] =	vst v2  }
0x93: {  	v2 =	vld [tilespmem:$0x170]  }
.Ltmp7:
0x94: {  	(pc) =	sbr.rel @p1 .LBB2_6-.Ltmp7, $2  }
0x95: {  	_ =	sdelay $0x2  }
0x96: {  	s16 =	sadd.s32 $0x10, s16;
	v1 =	vadd.f32 v2, v1  }
.Ltmp8:
0x97: {  	_ = 	snop;
	(pc) =	sbr.rel .LBB2_7-.Ltmp8, $1  }
0x98: {  	_ =	sdelay $0x3  }
.LBB2_10:
0x99: {  	_ =	sfence.sel $0x180000  }
0x9a: {  	[bflag:$0x0] =	sbarrier.arrive $0xFFFF  }
0x9b: {  	p0 =	sne.s32 s0, $0x0;
	_ =	strace $0x90000047  }
0x9c: {  	s0 =	sadd.s32 @!p0 $0x100000, s2;
	[bflag:$0x2] =	sbarrier.arrive $0xFFFF  }
0x9d: {  	[sflag:s0] =	ssyncadd.tile.s32 @!p0 $0x1;
	_ =	shalt  }
.Lfunc_end2:
_tile_overlayer_lowered:
.L_overlay_start_2:
0x9e: {  	(tag) =	ssettag $0x2  }
0x9f: {  	s0 =	rddreg [dreg:$0x0];
	s2 =	stileid.u32  }
0xa0: {  	s1 =	rddreg [dreg:$0x1];
	p0 =	sne.s32 s2, $0x0  }
0xa1: {  	s3 =	rddreg [dreg:$0x2];
	[bflag:$0x3] =	sbarrier.arrive $0xFFFF;
	s2 =	simm.s32 @!p0 $0x1C02  }
0xa2: {  	[timem:s3], [sflag:s2] =	dma.local @!p0 [hbm:s0], s1  }
0xa3: {  	s0 =	simm.s32 @!p0 $0x2  }
0xa4: {  	_ =	swait.ge @!p0 [sflag:s0], s1  }
0xa5: {  	s1 =	ssub.s32 @!p0 $0x0, s1;
	[sflag:s0] =	ssyncset.done @!p0 $0x0  }
0xa6: {  	[sflag:s0] =	ssyncadd.s32 @!p0 s1  }
0xa7: {  	[bflag:$0x3] =	sbarrier.arrive $0xFFFF  }
0xa8: {  	_ =	shalt  }

</sc_bundles>
